<compile_context>
chip_gen: v7x
topology: tpu7x:2x2x1
jax: 0.10.2.dev20260603
libtpu: 0.0.44.dev20260713+nightly
codegen_flags: <defaults>
</compile_context>

<pallas_src>
import functools

import jax
import jax.numpy as jnp
from jax import lax
from jax.experimental import pallas as pl
from jax.experimental.pallas import tpu as pltpu
from jax.experimental.pallas import tpu_sc as plsc

_VOCAB = 8192
_BATCH = 2
_SEQ = 2048
_B = _BATCH * _SEQ
_SPLIT = 4
_DS = _VOCAB // _SPLIT
_C = 8

_NC = 2
_NS = 16
_NW = _NC * _NS
_BPW = _B // _NW
_NQ = _BPW // _C


@functools.partial(
    pl.kernel,
    mesh=plsc.VectorSubcoreMesh(core_axis_name="c", subcore_axis_name="s"),
    out_type=jax.ShapeDtypeStruct((_B, _VOCAB), jnp.float32),
    scratch_types=[
        pltpu.VMEM((_BPW,), jnp.int32),
        pltpu.VMEM((_C, _DS), jnp.float32),
        pltpu.VMEM((_C, _DS), jnp.float32),
        pltpu.VMEM((_C, _DS), jnp.float32),
        pltpu.VMEM((_C, _DS), jnp.float32),
        pltpu.SemaphoreType.DMA,
        pltpu.SemaphoreType.DMA,
        pltpu.SemaphoreType.DMA,
        pltpu.SemaphoreType.DMA,
    ],
)
def _gather(
    tab_hbm, idx_hbm, out_hbm, idx_v,
    buf0, buf1, buf2, buf3, sem0, sem1, sem2, sem3,
):
    bufs = (buf0, buf1, buf2, buf3)
    sems = (sem0, sem1, sem2, sem3)
    wid = lax.axis_index("s") * _NC + lax.axis_index("c")
    base = wid * _BPW

    pltpu.sync_copy(idx_hbm.at[pl.ds(base, _BPW)], idx_v)

    def start_gather(q, h):
        pltpu.async_copy(
            tab_hbm.at[idx_v.at[pl.ds(q * _C, _C)], pl.ds(h * _DS, _DS)],
            bufs[h],
            sems[h],
        )

    def wait_gather(h):
        pltpu.make_async_copy(
            tab_hbm.at[idx_v.at[pl.ds(0, _C)], pl.ds(h * _DS, _DS)],
            bufs[h],
            sems[h],
        ).wait()

    for h in range(_SPLIT):
        start_gather(0, h)

    def outer(q, carry):
        for h in range(_SPLIT):
            wait_gather(h)
            pltpu.sync_copy(
                bufs[h],
                out_hbm.at[pl.ds(base + q * _C, _C), pl.ds(h * _DS, _DS)],
            )

            @pl.when(q + 1 < _NQ)
            def _():
                start_gather(q + 1, h)

        return carry

    lax.fori_loop(0, _NQ, outer, 0)


def kernel(index, targets, token_embedding_table):
    del targets
    idx = index.reshape(_B).astype(jnp.int32)
    out = _gather(token_embedding_table, idx)
    return out.reshape(_BATCH, _SEQ, _VOCAB)

# --- scband reference (transcript-rebuilt; emitter-appended) ---
"""Pipeline reference for scband-bigram-language-model-22153441312911 (READ-ONLY COPY).

The authoritative reference and input builder live on the scoring server;
editing this copy changes nothing except your own understanding.
"""

import jax, jax.numpy as jnp
import numpy as np

VOCAB_SIZE = 8192
BATCH = 2
SEQ = 2048

def setup_inputs(seed: int = 0) -> dict:
    key = jax.random.key(seed)
    k_idx, k_tgt, k_tab = jax.random.split(key, 3)
    index = jax.random.randint(k_idx, (BATCH, SEQ), 0, VOCAB_SIZE, dtype=jnp.int64 if jax.config.jax_enable_x64 else jnp.int32)
    targets = jax.random.randint(k_tgt, (BATCH, SEQ), 0, VOCAB_SIZE, dtype=jnp.int64 if jax.config.jax_enable_x64 else jnp.int32)
    # nn.Embedding default init: N(0, 1)
    token_embedding_table = jax.random.normal(k_tab, (VOCAB_SIZE, VOCAB_SIZE), dtype=jnp.float32)
    return {"index": index, "targets": targets, "token_embedding_table": token_embedding_table}

def reference(index, targets, token_embedding_table):
    # logits = self.token_embedding_table(index); targets unused in forward
    logits = jnp.take(token_embedding_table, index, axis=0)
    return logits

if __name__ == "__main__":
    import jax
    _d = setup_inputs()
    print(jax.jit(kernel)(*tuple(_d.values())))

</pallas_src>

<mosaic_0001>
#map = affine_map<(d0, d1) -> (0, 0)>
#map1 = affine_map<(d0, d1) -> (0)>
module attributes {stable_mosaic.version = 14 : i64} {
  func.func @_gather(%arg0: i32, %arg1: i32, %arg2: memref<8192x8192xf32, #tpu.memory_space<hbm>>, %arg3: memref<4096xi32, #tpu.memory_space<hbm>>, %arg4: memref<4096x8192xf32, #tpu.memory_space<hbm>>, %arg5: memref<128xi32, #tpu.memory_space<vmem>>, %arg6: memref<8x2048xf32, #tpu.memory_space<vmem>>, %arg7: memref<8x2048xf32, #tpu.memory_space<vmem>>, %arg8: memref<8x2048xf32, #tpu.memory_space<vmem>>, %arg9: memref<8x2048xf32, #tpu.memory_space<vmem>>, %arg10: memref<!tpu.dma_semaphore, #tpu.memory_space<semaphore_mem>>, %arg11: memref<!tpu.dma_semaphore, #tpu.memory_space<semaphore_mem>>, %arg12: memref<!tpu.dma_semaphore, #tpu.memory_space<semaphore_mem>>, %arg13: memref<!tpu.dma_semaphore, #tpu.memory_space<semaphore_mem>>) attributes {dimension_semantics = [#tpu.dimension_semantics<core_parallel>, #tpu.dimension_semantics<subcore_parallel>], iteration_bounds = array<i64: 2, 16>, scalar_prefetch = 0 : i64, scratch_operands = 9 : i64, tpu.core_type = #tpu.core_type<sc_vector_subcore>, window_params = [{transform_indices = #map}, {transform_indices = #map1}, {transform_indices = #map}]} {
    %mul3A = arith.constant 2 : i32
    %mul3A_0 = arith.muli %arg1, %mul3A : i32
    %add3A = arith.addi %mul3A_0, %arg0 : i32
    %mul3A_1 = arith.constant 128 : i32
    %mul3A_2 = arith.muli %add3A, %mul3A_1 : i32
    "tpu.region"() ({
      %run_scoped3A = tpu.sem_alloc : memref<!tpu.dma_semaphore, #tpu.memory_space<semaphore_mem>>
      %dma_start3A_27 = tpu.memref_slice %arg3[%mul3A_2] : memref<4096xi32, #tpu.memory_space<hbm>> -> memref<128xi32, #tpu.memory_space<hbm>>
      %dma_start3A_28 = tpu.memref_slice %arg3[%mul3A_2] : memref<4096xi32, #tpu.memory_space<hbm>> -> memref<128xi32, #tpu.memory_space<hbm>>
      tpu.enqueue_dma source(%dma_start3A_28 : memref<128xi32, #tpu.memory_space<hbm>>) target(%arg5 : memref<128xi32, #tpu.memory_space<vmem>>) target_semaphore(%run_scoped3A : memref<!tpu.dma_semaphore, #tpu.memory_space<semaphore_mem>>)
      %dma_wait3A = tpu.memref_slice %arg3[%mul3A_2] : memref<4096xi32, #tpu.memory_space<hbm>> -> memref<128xi32, #tpu.memory_space<hbm>>
      %dma_wait3A_29 = tpu.memref_slice %arg3[%mul3A_2] : memref<4096xi32, #tpu.memory_space<hbm>> -> memref<128xi32, #tpu.memory_space<hbm>>
      tpu.wait_dma2 semaphore(%run_scoped3A : memref<!tpu.dma_semaphore, #tpu.memory_space<semaphore_mem>>) src(%dma_wait3A_29 : memref<128xi32, #tpu.memory_space<hbm>>) dst(%arg5 : memref<128xi32, #tpu.memory_space<vmem>>)
      tpu.yield
    }) : () -> ()
    %dma_start3A = arith.constant 0 : i32
    %dma_start3A_3 = tpu.memref_slice %arg5[%dma_start3A] : memref<128xi32, #tpu.memory_space<vmem>> -> memref<8xi32, #tpu.memory_space<vmem>>
    %dma_start3A_4 = arith.constant 0 : i32
    %dma_start3A_5 = arith.constant 0 : i32
    %dma_start3A_6 = tpu.memref_slice %arg2[%dma_start3A_4, %dma_start3A_5] : memref<8192x8192xf32, #tpu.memory_space<hbm>> -> memref<8192x2048xf32, #tpu.memory_space<hbm>>
    tpu.enqueue_indirect_dma source(%dma_start3A_6 : memref<8192x2048xf32, #tpu.memory_space<hbm>>) target(%arg6 : memref<8x2048xf32, #tpu.memory_space<vmem>>) offsets(%dma_start3A_3 : memref<8xi32, #tpu.memory_space<vmem>>) semaphore(%arg10 : memref<!tpu.dma_semaphore, #tpu.memory_space<semaphore_mem>>)
    %dma_start3A_7 = arith.constant 0 : i32
    %dma_start3A_8 = tpu.memref_slice %arg5[%dma_start3A_7] : memref<128xi32, #tpu.memory_space<vmem>> -> memref<8xi32, #tpu.memory_space<vmem>>
    %dma_start3A_9 = arith.constant 0 : i32
    %dma_start3A_10 = arith.constant 2048 : i32
    %dma_start3A_11 = tpu.memref_slice %arg2[%dma_start3A_9, %dma_start3A_10] : memref<8192x8192xf32, #tpu.memory_space<hbm>> -> memref<8192x2048xf32, #tpu.memory_space<hbm>>
    tpu.enqueue_indirect_dma source(%dma_start3A_11 : memref<8192x2048xf32, #tpu.memory_space<hbm>>) target(%arg7 : memref<8x2048xf32, #tpu.memory_space<vmem>>) offsets(%dma_start3A_8 : memref<8xi32, #tpu.memory_space<vmem>>) semaphore(%arg11 : memref<!tpu.dma_semaphore, #tpu.memory_space<semaphore_mem>>)
    %dma_start3A_12 = arith.constant 0 : i32
    %dma_start3A_13 = tpu.memref_slice %arg5[%dma_start3A_12] : memref<128xi32, #tpu.memory_space<vmem>> -> memref<8xi32, #tpu.memory_space<vmem>>
    %dma_start3A_14 = arith.constant 0 : i32
    %dma_start3A_15 = arith.constant 4096 : i32
    %dma_start3A_16 = tpu.memref_slice %arg2[%dma_start3A_14, %dma_start3A_15] : memref<8192x8192xf32, #tpu.memory_space<hbm>> -> memref<8192x2048xf32, #tpu.memory_space<hbm>>
    tpu.enqueue_indirect_dma source(%dma_start3A_16 : memref<8192x2048xf32, #tpu.memory_space<hbm>>) target(%arg8 : memref<8x2048xf32, #tpu.memory_space<vmem>>) offsets(%dma_start3A_13 : memref<8xi32, #tpu.memory_space<vmem>>) semaphore(%arg12 : memref<!tpu.dma_semaphore, #tpu.memory_space<semaphore_mem>>)
    %dma_start3A_17 = arith.constant 0 : i32
    %dma_start3A_18 = tpu.memref_slice %arg5[%dma_start3A_17] : memref<128xi32, #tpu.memory_space<vmem>> -> memref<8xi32, #tpu.memory_space<vmem>>
    %dma_start3A_19 = arith.constant 0 : i32
    %dma_start3A_20 = arith.constant 6144 : i32
    %dma_start3A_21 = tpu.memref_slice %arg2[%dma_start3A_19, %dma_start3A_20] : memref<8192x8192xf32, #tpu.memory_space<hbm>> -> memref<8192x2048xf32, #tpu.memory_space<hbm>>
    tpu.enqueue_indirect_dma source(%dma_start3A_21 : memref<8192x2048xf32, #tpu.memory_space<hbm>>) target(%arg9 : memref<8x2048xf32, #tpu.memory_space<vmem>>) offsets(%dma_start3A_18 : memref<8xi32, #tpu.memory_space<vmem>>) semaphore(%arg13 : memref<!tpu.dma_semaphore, #tpu.memory_space<semaphore_mem>>)
    %scan3A = arith.constant 0 : i32
    %scan3A_22 = arith.constant 0 : i32
    %scan3A_23 = arith.constant 16 : i32
    %scan3A_24 = arith.addi %scan3A_22, %scan3A_23 : i32
    %scan3A_25 = arith.constant 1 : i32
    scf.for %scan3A_27 = %scan3A_22 to %scan3A_24 step %scan3A_25  : i32 {
      %dma_wait3A = arith.constant 0 : i32
      %dma_wait3A_28 = tpu.memref_slice %arg5[%dma_wait3A] : memref<128xi32, #tpu.memory_space<vmem>> -> memref<8xi32, #tpu.memory_space<vmem>>
      %dma_wait3A_29 = arith.constant 0 : i32
      %dma_wait3A_30 = arith.constant 0 : i32
      %dma_wait3A_31 = tpu.memref_slice %arg2[%dma_wait3A_29, %dma_wait3A_30] : memref<8192x8192xf32, #tpu.memory_space<hbm>> -> memref<8192x2048xf32, #tpu.memory_space<hbm>>
      tpu.wait_indirect_dma semaphore(%arg10 : memref<!tpu.dma_semaphore, #tpu.memory_space<semaphore_mem>>) src(%dma_wait3A_31 : memref<8192x2048xf32, #tpu.memory_space<hbm>>) dst(%arg6 : memref<8x2048xf32, #tpu.memory_space<vmem>>)
      %mul3A_32 = arith.constant 8 : i32
      %mul3A_33 = arith.muli %scan3A_27, %mul3A_32 : i32
      %add3A_34 = arith.addi %mul3A_2, %mul3A_33 : i32
      "tpu.region"() ({
        %run_scoped3A = tpu.sem_alloc : memref<!tpu.dma_semaphore, #tpu.memory_space<semaphore_mem>>
        %dma_start3A_84 = arith.constant 0 : i32
        %dma_start3A_85 = tpu.memref_slice %arg4[%add3A_34, %dma_start3A_84] : memref<4096x8192xf32, #tpu.memory_space<hbm>> -> memref<8x2048xf32, #tpu.memory_space<hbm>>
        %dma_start3A_86 = arith.constant 0 : i32
        %dma_start3A_87 = tpu.memref_slice %arg4[%add3A_34, %dma_start3A_86] : memref<4096x8192xf32, #tpu.memory_space<hbm>> -> memref<8x2048xf32, #tpu.memory_space<hbm>>
        tpu.enqueue_dma source(%arg6 : memref<8x2048xf32, #tpu.memory_space<vmem>>) target(%dma_start3A_87 : memref<8x2048xf32, #tpu.memory_space<hbm>>) target_semaphore(%run_scoped3A : memref<!tpu.dma_semaphore, #tpu.memory_space<semaphore_mem>>)
        %dma_wait3A_88 = arith.constant 0 : i32
        %dma_wait3A_89 = tpu.memref_slice %arg4[%add3A_34, %dma_wait3A_88] : memref<4096x8192xf32, #tpu.memory_space<hbm>> -> memref<8x2048xf32, #tpu.memory_space<hbm>>
        %dma_wait3A_90 = arith.constant 0 : i32
        %dma_wait3A_91 = tpu.memref_slice %arg4[%add3A_34, %dma_wait3A_90] : memref<4096x8192xf32, #tpu.memory_space<hbm>> -> memref<8x2048xf32, #tpu.memory_space<hbm>>
        tpu.wait_dma2 semaphore(%run_scoped3A : memref<!tpu.dma_semaphore, #tpu.memory_space<semaphore_mem>>) src(%arg6 : memref<8x2048xf32, #tpu.memory_space<vmem>>) dst(%dma_wait3A_91 : memref<8x2048xf32, #tpu.memory_space<hbm>>)
        tpu.yield
      }) : () -> ()
      %add3A_35 = arith.constant 1 : i32
      %add3A_36 = arith.addi %scan3A_27, %add3A_35 : i32
      %lt3A = arith.constant 16 : i32
      %lt3A_37 = arith.cmpi slt, %add3A_36, %lt3A : i32
      %convert_element_type3A = arith.extui %lt3A_37 : i1 to i32
      %cond3A = arith.constant 0 : i32
      %cond3A_38 = arith.cmpi ne, %convert_element_type3A, %cond3A : i32
      scf.if %cond3A_38 {
        %add3A_84 = arith.constant 1 : i32
        %add3A_85 = arith.addi %scan3A_27, %add3A_84 : i32
        %mul3A_86 = arith.constant 8 : i32
        %mul3A_87 = arith.muli %add3A_85, %mul3A_86 : i32
        %dma_start3A_88 = tpu.memref_slice %arg5[%mul3A_87] : memref<128xi32, #tpu.memory_space<vmem>> -> memref<8xi32, #tpu.memory_space<vmem>>
        %dma_start3A_89 = arith.constant 0 : i32
        %dma_start3A_90 = arith.constant 0 : i32
        %dma_start3A_91 = tpu.memref_slice %arg2[%dma_start3A_89, %dma_start3A_90] : memref<8192x8192xf32, #tpu.memory_space<hbm>> -> memref<8192x2048xf32, #tpu.memory_space<hbm>>
        tpu.enqueue_indirect_dma source(%dma_start3A_91 : memref<8192x2048xf32, #tpu.memory_space<hbm>>) target(%arg6 : memref<8x2048xf32, #tpu.memory_space<vmem>>) offsets(%dma_start3A_88 : memref<8xi32, #tpu.memory_space<vmem>>) semaphore(%arg10 : memref<!tpu.dma_semaphore, #tpu.memory_space<semaphore_mem>>)
      } else {
      }
      %dma_wait3A_39 = arith.constant 0 : i32
      %dma_wait3A_40 = tpu.memref_slice %arg5[%dma_wait3A_39] : memref<128xi32, #tpu.memory_space<vmem>> -> memref<8xi32, #tpu.memory_space<vmem>>
      %dma_wait3A_41 = arith.constant 0 : i32
      %dma_wait3A_42 = arith.constant 2048 : i32
      %dma_wait3A_43 = tpu.memref_slice %arg2[%dma_wait3A_41, %dma_wait3A_42] : memref<8192x8192xf32, #tpu.memory_space<hbm>> -> memref<8192x2048xf32, #tpu.memory_space<hbm>>
      tpu.wait_indirect_dma semaphore(%arg11 : memref<!tpu.dma_semaphore, #tpu.memory_space<semaphore_mem>>) src(%dma_wait3A_43 : memref<8192x2048xf32, #tpu.memory_space<hbm>>) dst(%arg7 : memref<8x2048xf32, #tpu.memory_space<vmem>>)
      %mul3A_44 = arith.constant 8 : i32
      %mul3A_45 = arith.muli %scan3A_27, %mul3A_44 : i32
      %add3A_46 = arith.addi %mul3A_2, %mul3A_45 : i32
      "tpu.region"() ({
        %run_scoped3A = tpu.sem_alloc : memref<!tpu.dma_semaphore, #tpu.memory_space<semaphore_mem>>
        %dma_start3A_84 = arith.constant 2048 : i32
        %dma_start3A_85 = tpu.memref_slice %arg4[%add3A_46, %dma_start3A_84] : memref<4096x8192xf32, #tpu.memory_space<hbm>> -> memref<8x2048xf32, #tpu.memory_space<hbm>>
        %dma_start3A_86 = arith.constant 2048 : i32
        %dma_start3A_87 = tpu.memref_slice %arg4[%add3A_46, %dma_start3A_86] : memref<4096x8192xf32, #tpu.memory_space<hbm>> -> memref<8x2048xf32, #tpu.memory_space<hbm>>
        tpu.enqueue_dma source(%arg7 : memref<8x2048xf32, #tpu.memory_space<vmem>>) target(%dma_start3A_87 : memref<8x2048xf32, #tpu.memory_space<hbm>>) target_semaphore(%run_scoped3A : memref<!tpu.dma_semaphore, #tpu.memory_space<semaphore_mem>>)
        %dma_wait3A_88 = arith.constant 2048 : i32
        %dma_wait3A_89 = tpu.memref_slice %arg4[%add3A_46, %dma_wait3A_88] : memref<4096x8192xf32, #tpu.memory_space<hbm>> -> memref<8x2048xf32, #tpu.memory_space<hbm>>
        %dma_wait3A_90 = arith.constant 2048 : i32
        %dma_wait3A_91 = tpu.memref_slice %arg4[%add3A_46, %dma_wait3A_90] : memref<4096x8192xf32, #tpu.memory_space<hbm>> -> memref<8x2048xf32, #tpu.memory_space<hbm>>
        tpu.wait_dma2 semaphore(%run_scoped3A : memref<!tpu.dma_semaphore, #tpu.memory_space<semaphore_mem>>) src(%arg7 : memref<8x2048xf32, #tpu.memory_space<vmem>>) dst(%dma_wait3A_91 : memref<8x2048xf32, #tpu.memory_space<hbm>>)
        tpu.yield
      }) : () -> ()
      %add3A_47 = arith.constant 1 : i32
      %add3A_48 = arith.addi %scan3A_27, %add3A_47 : i32
      %lt3A_49 = arith.constant 16 : i32
      %lt3A_50 = arith.cmpi slt, %add3A_48, %lt3A_49 : i32
      %convert_element_type3A_51 = arith.extui %lt3A_50 : i1 to i32
      %cond3A_52 = arith.constant 0 : i32
      %cond3A_53 = arith.cmpi ne, %convert_element_type3A_51, %cond3A_52 : i32
      scf.if %cond3A_53 {
        %add3A_84 = arith.constant 1 : i32
        %add3A_85 = arith.addi %scan3A_27, %add3A_84 : i32
        %mul3A_86 = arith.constant 8 : i32
        %mul3A_87 = arith.muli %add3A_85, %mul3A_86 : i32
        %dma_start3A_88 = tpu.memref_slice %arg5[%mul3A_87] : memref<128xi32, #tpu.memory_space<vmem>> -> memref<8xi32, #tpu.memory_space<vmem>>
        %dma_start3A_89 = arith.constant 0 : i32
        %dma_start3A_90 = arith.constant 2048 : i32
        %dma_start3A_91 = tpu.memref_slice %arg2[%dma_start3A_89, %dma_start3A_90] : memref<8192x8192xf32, #tpu.memory_space<hbm>> -> memref<8192x2048xf32, #tpu.memory_space<hbm>>
        tpu.enqueue_indirect_dma source(%dma_start3A_91 : memref<8192x2048xf32, #tpu.memory_space<hbm>>) target(%arg7 : memref<8x2048xf32, #tpu.memory_space<vmem>>) offsets(%dma_start3A_88 : memref<8xi32, #tpu.memory_space<vmem>>) semaphore(%arg11 : memref<!tpu.dma_semaphore, #tpu.memory_space<semaphore_mem>>)
      } else {
      }
      %dma_wait3A_54 = arith.constant 0 : i32
      %dma_wait3A_55 = tpu.memref_slice %arg5[%dma_wait3A_54] : memref<128xi32, #tpu.memory_space<vmem>> -> memref<8xi32, #tpu.memory_space<vmem>>
      %dma_wait3A_56 = arith.constant 0 : i32
      %dma_wait3A_57 = arith.constant 4096 : i32
      %dma_wait3A_58 = tpu.memref_slice %arg2[%dma_wait3A_56, %dma_wait3A_57] : memref<8192x8192xf32, #tpu.memory_space<hbm>> -> memref<8192x2048xf32, #tpu.memory_space<hbm>>
      tpu.wait_indirect_dma semaphore(%arg12 : memref<!tpu.dma_semaphore, #tpu.memory_space<semaphore_mem>>) src(%dma_wait3A_58 : memref<8192x2048xf32, #tpu.memory_space<hbm>>) dst(%arg8 : memref<8x2048xf32, #tpu.memory_space<vmem>>)
      %mul3A_59 = arith.constant 8 : i32
      %mul3A_60 = arith.muli %scan3A_27, %mul3A_59 : i32
      %add3A_61 = arith.addi %mul3A_2, %mul3A_60 : i32
      "tpu.region"() ({
        %run_scoped3A = tpu.sem_alloc : memref<!tpu.dma_semaphore, #tpu.memory_space<semaphore_mem>>
        %dma_start3A_84 = arith.constant 4096 : i32
        %dma_start3A_85 = tpu.memref_slice %arg4[%add3A_61, %dma_start3A_84] : memref<4096x8192xf32, #tpu.memory_space<hbm>> -> memref<8x2048xf32, #tpu.memory_space<hbm>>
        %dma_start3A_86 = arith.constant 4096 : i32
        %dma_start3A_87 = tpu.memref_slice %arg4[%add3A_61, %dma_start3A_86] : memref<4096x8192xf32, #tpu.memory_space<hbm>> -> memref<8x2048xf32, #tpu.memory_space<hbm>>
        tpu.enqueue_dma source(%arg8 : memref<8x2048xf32, #tpu.memory_space<vmem>>) target(%dma_start3A_87 : memref<8x2048xf32, #tpu.memory_space<hbm>>) target_semaphore(%run_scoped3A : memref<!tpu.dma_semaphore, #tpu.memory_space<semaphore_mem>>)
        %dma_wait3A_88 = arith.constant 4096 : i32
        %dma_wait3A_89 = tpu.memref_slice %arg4[%add3A_61, %dma_wait3A_88] : memref<4096x8192xf32, #tpu.memory_space<hbm>> -> memref<8x2048xf32, #tpu.memory_space<hbm>>
        %dma_wait3A_90 = arith.constant 4096 : i32
        %dma_wait3A_91 = tpu.memref_slice %arg4[%add3A_61, %dma_wait3A_90] : memref<4096x8192xf32, #tpu.memory_space<hbm>> -> memref<8x2048xf32, #tpu.memory_space<hbm>>
        tpu.wait_dma2 semaphore(%run_scoped3A : memref<!tpu.dma_semaphore, #tpu.memory_space<semaphore_mem>>) src(%arg8 : memref<8x2048xf32, #tpu.memory_space<vmem>>) dst(%dma_wait3A_91 : memref<8x2048xf32, #tpu.memory_space<hbm>>)
        tpu.yield
      }) : () -> ()
      %add3A_62 = arith.constant 1 : i32
      %add3A_63 = arith.addi %scan3A_27, %add3A_62 : i32
      %lt3A_64 = arith.constant 16 : i32
      %lt3A_65 = arith.cmpi slt, %add3A_63, %lt3A_64 : i32
      %convert_element_type3A_66 = arith.extui %lt3A_65 : i1 to i32
      %cond3A_67 = arith.constant 0 : i32
      %cond3A_68 = arith.cmpi ne, %convert_element_type3A_66, %cond3A_67 : i32
      scf.if %cond3A_68 {
        %add3A_84 = arith.constant 1 : i32
        %add3A_85 = arith.addi %scan3A_27, %add3A_84 : i32
        %mul3A_86 = arith.constant 8 : i32
        %mul3A_87 = arith.muli %add3A_85, %mul3A_86 : i32
        %dma_start3A_88 = tpu.memref_slice %arg5[%mul3A_87] : memref<128xi32, #tpu.memory_space<vmem>> -> memref<8xi32, #tpu.memory_space<vmem>>
        %dma_start3A_89 = arith.constant 0 : i32
        %dma_start3A_90 = arith.constant 4096 : i32
        %dma_start3A_91 = tpu.memref_slice %arg2[%dma_start3A_89, %dma_start3A_90] : memref<8192x8192xf32, #tpu.memory_space<hbm>> -> memref<8192x2048xf32, #tpu.memory_space<hbm>>
        tpu.enqueue_indirect_dma source(%dma_start3A_91 : memref<8192x2048xf32, #tpu.memory_space<hbm>>) target(%arg8 : memref<8x2048xf32, #tpu.memory_space<vmem>>) offsets(%dma_start3A_88 : memref<8xi32, #tpu.memory_space<vmem>>) semaphore(%arg12 : memref<!tpu.dma_semaphore, #tpu.memory_space<semaphore_mem>>)
      } else {
      }
      %dma_wait3A_69 = arith.constant 0 : i32
      %dma_wait3A_70 = tpu.memref_slice %arg5[%dma_wait3A_69] : memref<128xi32, #tpu.memory_space<vmem>> -> memref<8xi32, #tpu.memory_space<vmem>>
      %dma_wait3A_71 = arith.constant 0 : i32
      %dma_wait3A_72 = arith.constant 6144 : i32
      %dma_wait3A_73 = tpu.memref_slice %arg2[%dma_wait3A_71, %dma_wait3A_72] : memref<8192x8192xf32, #tpu.memory_space<hbm>> -> memref<8192x2048xf32, #tpu.memory_space<hbm>>
      tpu.wait_indirect_dma semaphore(%arg13 : memref<!tpu.dma_semaphore, #tpu.memory_space<semaphore_mem>>) src(%dma_wait3A_73 : memref<8192x2048xf32, #tpu.memory_space<hbm>>) dst(%arg9 : memref<8x2048xf32, #tpu.memory_space<vmem>>)
      %mul3A_74 = arith.constant 8 : i32
      %mul3A_75 = arith.muli %scan3A_27, %mul3A_74 : i32
      %add3A_76 = arith.addi %mul3A_2, %mul3A_75 : i32
      "tpu.region"() ({
        %run_scoped3A = tpu.sem_alloc : memref<!tpu.dma_semaphore, #tpu.memory_space<semaphore_mem>>
        %dma_start3A_84 = arith.constant 6144 : i32
        %dma_start3A_85 = tpu.memref_slice %arg4[%add3A_76, %dma_start3A_84] : memref<4096x8192xf32, #tpu.memory_space<hbm>> -> memref<8x2048xf32, #tpu.memory_space<hbm>>
        %dma_start3A_86 = arith.constant 6144 : i32
        %dma_start3A_87 = tpu.memref_slice %arg4[%add3A_76, %dma_start3A_86] : memref<4096x8192xf32, #tpu.memory_space<hbm>> -> memref<8x2048xf32, #tpu.memory_space<hbm>>
        tpu.enqueue_dma source(%arg9 : memref<8x2048xf32, #tpu.memory_space<vmem>>) target(%dma_start3A_87 : memref<8x2048xf32, #tpu.memory_space<hbm>>) target_semaphore(%run_scoped3A : memref<!tpu.dma_semaphore, #tpu.memory_space<semaphore_mem>>)
        %dma_wait3A_88 = arith.constant 6144 : i32
        %dma_wait3A_89 = tpu.memref_slice %arg4[%add3A_76, %dma_wait3A_88] : memref<4096x8192xf32, #tpu.memory_space<hbm>> -> memref<8x2048xf32, #tpu.memory_space<hbm>>
        %dma_wait3A_90 = arith.constant 6144 : i32
        %dma_wait3A_91 = tpu.memref_slice %arg4[%add3A_76, %dma_wait3A_90] : memref<4096x8192xf32, #tpu.memory_space<hbm>> -> memref<8x2048xf32, #tpu.memory_space<hbm>>
        tpu.wait_dma2 semaphore(%run_scoped3A : memref<!tpu.dma_semaphore, #tpu.memory_space<semaphore_mem>>) src(%arg9 : memref<8x2048xf32, #tpu.memory_space<vmem>>) dst(%dma_wait3A_91 : memref<8x2048xf32, #tpu.memory_space<hbm>>)
        tpu.yield
      }) : () -> ()
      %add3A_77 = arith.constant 1 : i32
      %add3A_78 = arith.addi %scan3A_27, %add3A_77 : i32
      %lt3A_79 = arith.constant 16 : i32
      %lt3A_80 = arith.cmpi slt, %add3A_78, %lt3A_79 : i32
      %convert_element_type3A_81 = arith.extui %lt3A_80 : i1 to i32
      %cond3A_82 = arith.constant 0 : i32
      %cond3A_83 = arith.cmpi ne, %convert_element_type3A_81, %cond3A_82 : i32
      scf.if %cond3A_83 {
        %add3A_84 = arith.constant 1 : i32
        %add3A_85 = arith.addi %scan3A_27, %add3A_84 : i32
        %mul3A_86 = arith.constant 8 : i32
        %mul3A_87 = arith.muli %add3A_85, %mul3A_86 : i32
        %dma_start3A_88 = tpu.memref_slice %arg5[%mul3A_87] : memref<128xi32, #tpu.memory_space<vmem>> -> memref<8xi32, #tpu.memory_space<vmem>>
        %dma_start3A_89 = arith.constant 0 : i32
        %dma_start3A_90 = arith.constant 6144 : i32
        %dma_start3A_91 = tpu.memref_slice %arg2[%dma_start3A_89, %dma_start3A_90] : memref<8192x8192xf32, #tpu.memory_space<hbm>> -> memref<8192x2048xf32, #tpu.memory_space<hbm>>
        tpu.enqueue_indirect_dma source(%dma_start3A_91 : memref<8192x2048xf32, #tpu.memory_space<hbm>>) target(%arg9 : memref<8x2048xf32, #tpu.memory_space<vmem>>) offsets(%dma_start3A_88 : memref<8xi32, #tpu.memory_space<vmem>>) semaphore(%arg13 : memref<!tpu.dma_semaphore, #tpu.memory_space<semaphore_mem>>)
      } else {
      }
    }
    %scan3A_26 = arith.constant 16 : i32
    return
  }
}

</mosaic_0001>

<sc_bundles>
// kernel: kernel.3.cloned.1.call-start
scs
__scs_entry_jumppad:
0x0: {  	(pc) =	sbr.rel $0x88, $3  }
0x1: {  	(tag) =	ssettag $0x0;
	lr =	simm.s32 $0x1  }
0x2: {  	[smem:$0x3F9F] =	sst lr;
	_ =	strace $0xD0000000  }
0x3: {  	_ = 	snop  }
0x4: {  	_ = 	snop  }
0x5: {  	_ = 	snop  }
0x6: {  	_ = 	snop  }
0x7: {  	_ = 	snop  }
__scs_overlays_trampoline_lowered:
0x8: {  	[smem:$0x3FAE] =	sst s0  }
0x9: {  	[smem:$0x3FAF] =	sst s1  }
0xa: {  	[smem:$0x3FB0] =	sst s2  }
0xb: {  	[smem:$0x3FB1] =	sst s3  }
0xc: {  	[smem:$0x3FB2] =	sst s4  }
0xd: {  	[smem:$0x3FB3] =	sst s5  }
0xe: {  	[smem:$0x3FB4] =	sst s6  }
0xf: {  	[smem:$0x3FB5] =	sst s7  }
0x10: {  	[smem:$0x3FB6] =	sst s8  }
0x11: {  	[smem:$0x3FB7] =	sst s9;
	s0 =	simm.s32 @!p0 $0x0  }
0x12: {  	s1 =	sld [smem:$0x3F9D];
	s0 =	simm.s32 @p0 $0x1  }
0x13: {  	[smem:$0x3FB8] =	sst s0;
	s0 =	simm.s32 @!p1 $0x0  }
0x14: {  	s2 =	sld [smem:$0x3F9C];
	s0 =	simm.s32 @p1 $0x1  }
0x15: {  	[smem:$0x3FB9] =	sst s0;
	s0 =	simm.s32 @!p2 $0x0  }
0x16: {  	s3 =	sld [smem:$0x3FDB];
	s0 =	simm.s32 @p2 $0x1  }
0x17: {  	s4 =	simm.s32 $0x1BF5;
	[smem:$0x3FBB] =	sst s0  }
0x18: {  	s0 =	sld [smem:$0x3F9E];
	_ =	swait.ge [sflag:s4], $0x0  }
0x19: {  	s7 =	sld [smem:$0x3F9F]  }
0x1a: {  	s8 =	sadd.s32 $0xFFFFE003, lr  }
0x1b: {  	s9 =	sadd.s32 $0xFFFFFEF7, lr;
	s5 =	simm.s32 $0xFFFFFFFF;
	p2 =	slt.u32 s8, $0xFFFFF086  }
0x1c: {  	p1 =	slt.u32 s9, $0xF7A;
	s5 =	simm.s32 @!p2 $0x0  }
0x1d: {  	s5 =	simm.s32 @p1 $0x1;
	p0 =	seq.s32 s7, s2  }
0x1e: {  	s7 =	smul.u32 @!p0 $0xF7A, s2;
	p2 =	seq.s32 @!p0 s5, $0x0  }
0x1f: {  	s9 =	smul.u32 $0xF7A, s1;
	s8 =	simm.s32 @!p0 $0x1BF5;
	p2 =	por !p2, p0  }
0x20: {  	[sflag:s8] =	ssyncset.s32 @!p0 $0xFFFFF086;
	s6 =	sadd.s32 @!p0 s3, s7;
	s7 =	simm.s32 @!p0 $0x108  }
0x21: {  	s3 =	sadd.s32 s3, s9;
	s6 =	sadd.s32 @!p0 $0x88, s6;
	s7 =	simm.s32 @p2 $0x1082  }
0x22: {  	[simem:s7], [sflag:s8] =	dma.local @!p0 [hbm:s6], $0xF7A  }
0x23: {  	s9 =	sor.u32 $0xD0000000, s2;
	s6 =	simm.s32 $0x108;
	_ =	swait.ge @!p0 [sflag:s8], $0x0  }
0x24: {  	s3 =	sadd.s32 $0x88, s3;
	s6 =	simm.s32 @!p1 $0x1082;
	[sflag:s4] =	ssyncset.s32 $0xFFFFF086  }
0x25: {  	[simem:s6], [sflag:s4] =	dma.local [hbm:s3], $0xF7A  }
0x26: {  	[smem:$0x3F9F] =	sst s1;
	(tag) =	ssettag s2;
	_ =	strace s9  }
0x27: {  	s1 =	sld [smem:$0x3FAF]  }
0x28: {  	s2 =	sld [smem:$0x3FB0]  }
0x29: {  	s4 =	sld [smem:$0x3FB2]  }
0x2a: {  	p0 =	seq.s32 s5, $0x0;
	s5 =	sld [smem:$0x3FB3]  }
0x2b: {  	s6 =	sld [smem:$0x3FB4]  }
0x2c: {  	s7 =	sld [smem:$0x3FB5]  }
0x2d: {  	s3 =	simm.s32 $0x108;
	s8 =	sld [smem:$0x3FB6]  }
0x2e: {  	s3 =	simm.s32 @!p0 $0x1082;
	s9 =	sld [smem:$0x3FB7]  }
0x2f: {  	lr =	sadd.s32 s0, s3;
	s0 =	sld [smem:$0x3FAE]  }
0x30: {  	s3 =	sld [smem:$0x3FB1]  }
0x31: {  	[smem:$0x3FBA] =	sst s10  }
0x32: {  	s10 =	sld [smem:$0x3FB8];
	_ =	sdelay $0x3  }
0x33: {  	p0 =	seq.s32 s10, $0x1;
	s10 =	sld [smem:$0x3FBA];
	_ =	sdelay $0x3  }
0x34: {  	[smem:$0x3FBA] =	sst s10  }
0x35: {  	s10 =	sld [smem:$0x3FB9];
	_ =	sdelay $0x3  }
0x36: {  	p1 =	seq.s32 s10, $0x1;
	s10 =	sld [smem:$0x3FBA];
	_ =	sdelay $0x3  }
0x37: {  	[smem:$0x3FBA] =	sst s10  }
0x38: {  	s10 =	sld [smem:$0x3FBB]  }
0x39: {  	_ = 	snop;
	(pc) =	sbr.ind lr, $3  }
0x3a: {  	_ = 	snop  }
0x3b: {  	_ = 	snop  }
0x3c: {  	p2 =	seq.s32 s10, $0x1;
	s10 =	sld [smem:$0x3FBA]  }
0x3d: {  	_ =	shalt  }
0x3e: {  	_ =	shalt  }
0x3f: {  	_ =	shalt  }
0x40: {  	_ =	shalt  }
0x41: {  	_ =	shalt  }
0x42: {  	_ =	shalt  }
0x43: {  	_ =	shalt  }
0x44: {  	_ =	shalt  }
0x45: {  	_ =	shalt  }
0x46: {  	_ =	shalt  }
0x47: {  	_ =	shalt  }
0x48: {  	_ =	shalt  }
0x49: {  	_ =	shalt  }
0x4a: {  	_ =	shalt  }
0x4b: {  	_ =	shalt  }
0x4c: {  	_ =	shalt  }
0x4d: {  	_ =	shalt  }
0x4e: {  	_ =	shalt  }
0x4f: {  	_ =	shalt  }
0x50: {  	_ =	shalt  }
0x51: {  	_ =	shalt  }
0x52: {  	_ =	shalt  }
0x53: {  	_ =	shalt  }
0x54: {  	_ =	shalt  }
0x55: {  	_ =	shalt  }
0x56: {  	_ =	shalt  }
0x57: {  	_ =	shalt  }
0x58: {  	_ =	shalt  }
0x59: {  	_ =	shalt  }
0x5a: {  	_ =	shalt  }
0x5b: {  	_ =	shalt  }
0x5c: {  	_ =	shalt  }
0x5d: {  	_ =	shalt  }
0x5e: {  	_ =	shalt  }
0x5f: {  	_ =	shalt  }
0x60: {  	_ =	shalt  }
0x61: {  	_ =	shalt  }
0x62: {  	_ =	shalt  }
0x63: {  	_ =	shalt  }
0x64: {  	_ =	shalt  }
0x65: {  	_ =	shalt  }
0x66: {  	_ =	shalt  }
0x67: {  	_ =	shalt  }
0x68: {  	_ =	shalt  }
0x69: {  	_ =	shalt  }
0x6a: {  	_ =	shalt  }
0x6b: {  	_ =	shalt  }
0x6c: {  	_ =	shalt  }
0x6d: {  	_ =	shalt  }
0x6e: {  	_ =	shalt  }
0x6f: {  	_ =	shalt  }
0x70: {  	_ =	shalt  }
0x71: {  	_ =	shalt  }
0x72: {  	_ =	shalt  }
0x73: {  	_ =	shalt  }
0x74: {  	_ =	shalt  }
0x75: {  	_ =	shalt  }
0x76: {  	_ =	shalt  }
0x77: {  	_ =	shalt  }
0x78: {  	_ =	shalt  }
0x79: {  	_ =	shalt  }
0x7a: {  	_ =	shalt  }
0x7b: {  	_ =	shalt  }
0x7c: {  	_ =	shalt  }
0x7d: {  	_ =	shalt  }
0x7e: {  	_ =	shalt  }
0x7f: {  	_ =	shalt  }
0x80: {  	_ =	shalt  }
0x81: {  	_ =	shalt  }
0x82: {  	_ =	shalt  }
0x83: {  	_ =	shalt  }
0x84: {  	_ =	shalt  }
0x85: {  	_ =	shalt  }
0x86: {  	_ =	shalt  }
0x87: {  	_ =	shalt  }
.Lfunc_end0:
.L_simem_size_0:
called_computation_lowered:
.L_overlay_start_0:
0x88: {  	s2 =	sld [smem:$0x3FD9]  }
0x89: {  	s3 =	sld [smem:$0x3FFE];
	_ =	sdelay $0x1  }
0x8a: {  	s1 =	srdreg.scid  }
0x8b: {  	s0 =	sand.u32 $0x1, s1  }
0x8c: {  	s17 =	sshll.u32 s0, $0xA;
	s2 =	sadd.s32 s3, s2  }
0x8d: {  	s2 =	sadd.s32 s2, s17  }
0x8e: {  	[smem:$0x3FC6] =	sst s2  }
0x8f: {  	_ = 	snop  }
0x90: {  	s2 =	sld [smem:$0x3FC8]  }
0x91: {  	s18 =	sld [smem:$0x3FD0];
	(tm) =	ssettm $0x1  }
0x92: {  	s4 =	sld [smem:$0x3FFB];
	_ =	sdelay $0x3  }
0x93: {  	_ =	strace s4  }
0x94: {  	s4 =	sld [smem:$0x3FFC];
	_ =	sdelay $0x3  }
0x95: {  	_ =	strace s4  }
0x96: {  	s4 =	sld [smem:$0x3FFD];
	_ =	sdelay $0x3  }
0x97: {  	_ =	strace s4  }
0x98: {  	_ =	strace $0x8FFFFFFF  }
0x99: {  	s19 =	sld [smem:$0x3FDB];
	_ =	sdelay $0x1  }
0x9a: {  	s5 =	simm.s32 $_scs_section_size  }
0x9b: {  	s6 =	simm.s32 $_size__tile_overlayer_lowered;
	s7 =	simm.s32 $_tile_overlayer_lowered  }
0x9c: {  	s22 =	simm.s32 $0x1BFF;
	s21 =	sshll.u32 s7, $0x1;
	s4 =	sadd.s32 s5, s19  }
0x9d: {  	s8 =	simm.s32 $0x0;
	s20 =	sshll.u32 s6, $0x1;
	s6 =	sadd.s32 s21, s4  }
0x9e: {  	[timem:s8], [sflag:s22] =	dma.local [hbm:s6], s20  }
0x9f: {  	_ =	swait.ge [sflag:s22], s20  }
0xa0: {  	s5 =	ssub.s32 $0x0, s20;
	[sflag:s22] =	ssyncset.done $0x0  }
0xa1: {  	[sflag:s22] =	ssyncadd.s32 s5;
	_ =	sdelay $0x1  }
0xa2: {  	s23 =	simm.s32 $0x1B8B  }
0xa3: {  	_ =	swait.ge [sflag:s23], $0x1  }
0xa4: {  	[sflag:s23] =	ssyncset.done $0x0  }
0xa5: {  	s25 =	simm.s32 $0x1B8E;
	s24 =	sld [smem:$0x3FFE];
	[sflag:s23] =	ssyncadd.s32 $0xFFFFFFFF  }
0xa6: {  	s26 =	simm.s32 $execute0_lowered;
	[smem:$0x3FD2] =	sst s25  }
0xa7: {  	s6 =	sshll.u32 s26, $0x1;
	_ =	strace $0x80000046;
	[dreg:$0x1] =	wrdreg $0xFFFFFFFF  }
0xa8: {  	s28 =	simm.s32 $_size_execute0_lowered;
	s4 =	sadd.s32 s4, s6;
	[dreg:$0x0] =	wrdreg $0x0  }
0xa9: {  	s6 =	sshll.u32 s28, $0x1;
	[dreg:$0x2] =	wrdreg s4  }
0xaa: {  	[dreg:$0x3] =	wrdreg s6  }
0xab: {  	[dreg:$0x4] =	wrdreg $0xC0  }
0xac: {  	_ =	task [dreg:s8], $0x5FFFF  }
0xad: {  	[dreg:$0x1] =	wrdreg $0xFFFFFFFF  }
0xae: {  	[dreg:$0x0] =	wrdreg $0x60  }
0xaf: {  	[dreg:$0x2] =	wrdreg s2  }
0xb0: {  	[dreg:$0x3] =	wrdreg s24  }
0xb1: {  	[dreg:$0x4] =	wrdreg s18  }
0xb2: {  	[dreg:$0x5] =	wrdreg $0x9  }
0xb3: {  	_ =	task.clear_ibuf [dreg:s8], $0x6FFFF;
	_ =	strace $0x90000046  }
0xb4: {  	s29 =	simm.s32 $0x9;
	_ =	strace $0x80000048  }
0xb5: {  	_ =	swait.ge [sflag:s29], $0x1  }
0xb6: {  	[sflag:s29] =	ssyncadd.s32 $0xFFFFFFFF  }
0xb7: {  	_ =	strace $0x90000048  }
0xb8: {  	_ =	sfence  }
0xb9: {  	s30 =	sld [smem:$0x0];
	_ =	sdelay $0x2  }
0xba: {  	s31 =	sshll.u32 s1, $0xD;
	s1 =	sshrl.u32 s1, $0x2  }
0xbb: {  	s3 =	sand.u32 $0x4000, s31;
	s1 =	sadd.s32 s1, s30  }
0xbc: {  	s0 =	sor.u32 s3, s0;
	s1 =	sshll.u32 s1, $0x11  }
0xbd: {  	s0 =	sor.u32 s1, s0  }
0xbe: {  	s0 =	sadd.s32 $0x8F2B, s0  }
0xbf: {  	[sflag:s0] =	ssyncadd.remote.s32 $0x1  }
0xc0: {  	_ =	sfence.sel $0xFFFF  }
0xc1: {  	[dreg:$0x0] =	wrdreg $0xFFFFFFFF;
	(pc) =	sbr.abs _section_cstart, $3  }
0xc2: {  	[dreg:$0x1] =	wrdreg $0xFFFFFFFF  }
0xc3: {  	_ =	task.clear_ibuf [dreg:s8], $0x2FFFF;
	_ =	strace $0x9FFFFFFF  }
0xc4: {  	(tm) =	ssettm $0x7FFFFFFF  }
0xc5: {  	_ =	shalt  }
tec
execute0_lowered:
.L_overlay_start_1:
0x0: {  	(tag) =	ssettag $0x1  }
0x1: {  	s20 =	rddreg [dreg:$0x0]  }
0x2: {  	s0 =	rddreg [dreg:$0x1];
	s1 =	srdreg.scid  }
0x3: {  	s2 =	rddreg [dreg:$0x2];
	s6 =	stileid.u32;
	s3 =	simm.s32 $0x0  }
0x4: {  	s17 =	simm.s32 $0x5;
	s21 =	simm.s32 $0x80;
	s13 =	simm.s32 $0x1  }
0x5: {  	s30 =	simm.s32 $0x2;
	s31 =	simm.s32 $0x3;
	s1 =	sand.u32 $0x1, s1  }
0x6: {  	s4 =	sshll.u32 s6, $0x5;
	[smem:$0x7FF] =	sst s3;
	s22 =	sadd.s32 $0x100, s20  }
0x7: {  	s23 =	sadd.s32 $0x200, s20;
	s15 =	sadd.s32 $0x600, s20;
	s19 =	sadd.s32 $0x700, s20  }
0x8: {  	s8 =	sadd.s32 $0x800, s20;
	s26 =	sshll.u32 s6, $0x12;
	s18 =	sadd.s32 $0x1000, s20  }
0x9: {  	s14 =	sadd.s32 $0x1800, s20;
	s6 =	simm.s32 $0x0;
	s5 =	sshll.u32 s1, $0x4  }
0xa: {  	s24 =	ssub.s32 $0x2, s1;
	_ =	strace $0x80000047;
	s1 =	sshll.u32 s1, $0x11  }
0xb: {  	s29 =	sadd.s32 $0x100, s8;
	s4 =	sor.u32 s5, s4;
	s25 =	sshrl.u32 s24, $0x1  }
0xc: {  	s5 =	sadd.s32 $0x500, s20;
	s0 =	sadd.s32 s4, s0;
	s4 =	ssub.s32 s24, s25  }
0xd: {  	s24 =	sadd.s32 $0x300, s20;
	s25 =	sadd.s32 $0x400, s20;
	s0 =	sadd.s32 $0x400, s0  }
0xe: {  	v0 =	vlaneseq.u32;
	s28 =	smax.u32 s4, $0x1;
	s4 =	simm.s32 $0x8080;
	[dreg:$0x4] =	wrdreg s0  }
0xf: {  	v1 =	vshrl.u32 v0, $0x3;
	s0 =	sadd.s32 s26, s2;
	[dreg:$0x5] =	wrdreg s28;
	s2 =	simm.s32 $0x4080  }
0x10: {  	vm0 =	vmmov $0xffff;
	v0 =	vand.u32 $0x7, v0;
	v1 =	vmul.u32 $0x8, v1;
	s26 =	simm.s32 $0xC080;
	s12 =	sadd.s32 s1, s0;
	s1 =	simm.s32 $0x4  }
.LBB2_1:
0x11: {  	[dreg:$0x6] =	wrdreg s6  }
0x12: {  	s0 =	rddreg [dreg:$0x4]  }
0x13: {  	[tilespmem:s3], [sflag:$0x5] =	stream.linear.gather [hbm4b:s0+s3], $0x80, $0x38;
	[tilespmem:$0x10080] =	vst v63  }
0x14: {  	_ =	swait.ge [sflag:s17], $0x80  }
0x15: {  	[sflag:s17] =	ssyncset.done $0x0  }
0x16: {  	[sflag:s17] =	ssyncadd.s32 $0xFFFFFF80  }
0x17: {  	v2 =	vld.msk [tilespmem:$0x0], $0xff;
	_ =	sdelay $0x4  }
0x18: {  	v3 =	vshll.u32 v2, $0x6  }
0x19: {  	v2 =	vand.u32 $0x7, v2;
	v3 =	vand.u32 $0xFFFFFE00, v3  }
0x1a: {  	v2 =	vor.u32 v2, v3  }
0x1b: {  	v2 =	vperm.xlane v2, v0;
	_ =	sdelay $0x1  }
0x1c: {  	v2 =	vadd.s32 v1, v2;
	_ =	sdelay $0x4  }
0x1d: {  	[tilespmem:s21], [sflag:$0x1] =	stream.indirect_vreg.gather [hbm4b:s20+s3], $0x80, v2, vm0, $0xb8;
	[tilespmem:$0x10080] =	vst v63  }
0x1e: {  	s9 =	simm.s32 $0x880  }
0x1f: {  	[tilespmem:s9], [sflag:$0x1] =	stream.indirect_vreg.gather [hbm4b:s22+s3], $0x80, v2, vm0, $0xb8;
	[tilespmem:$0x10080] =	vst v63  }
0x20: {  	s10 =	simm.s32 $0x1080  }
0x21: {  	[tilespmem:s10], [sflag:$0x1] =	stream.indirect_vreg.gather [hbm4b:s23+s3], $0x80, v2, vm0, $0xb8;
	[tilespmem:$0x10080] =	vst v63  }
0x22: {  	s11 =	simm.s32 $0x1880  }
0x23: {  	[tilespmem:s11], [sflag:$0x1] =	stream.indirect_vreg.gather [hbm4b:s24+s3], $0x80, v2, vm0, $0xb8;
	[tilespmem:$0x10080] =	vst v63  }
0x24: {  	s16 =	simm.s32 $0x2080  }
0x25: {  	[tilespmem:s16], [sflag:$0x1] =	stream.indirect_vreg.gather [hbm4b:s25+s3], $0x80, v2, vm0, $0xb8;
	[tilespmem:$0x10080] =	vst v63  }
0x26: {  	s6 =	simm.s32 $0x2880  }
0x27: {  	[tilespmem:s6], [sflag:$0x1] =	stream.indirect_vreg.gather [hbm4b:s5+s3], $0x80, v2, vm0, $0xb8;
	[tilespmem:$0x10080] =	vst v63  }
0x28: {  	s7 =	simm.s32 $0x3080  }
0x29: {  	[tilespmem:s7], [sflag:$0x1] =	stream.indirect_vreg.gather [hbm4b:s15+s3], $0x80, v2, vm0, $0xb8;
	[tilespmem:$0x10080] =	vst v63  }
0x2a: {  	s9 =	simm.s32 $0x3880  }
0x2b: {  	[tilespmem:s9], [sflag:$0x1] =	stream.indirect_vreg.gather [hbm4b:s19+s3], $0x80, v2, vm0, $0xb8;
	[tilespmem:$0x10080] =	vst v63  }
0x2c: {  	v2 =	vld.msk [tilespmem:$0x0], $0xff;
	_ =	sdelay $0x4  }
0x2d: {  	v3 =	vshll.u32 v2, $0x6  }
0x2e: {  	v2 =	vand.u32 $0x7, v2;
	v3 =	vand.u32 $0xFFFFFE00, v3  }
0x2f: {  	v2 =	vor.u32 v2, v3  }
0x30: {  	v2 =	vperm.xlane v2, v0;
	_ =	sdelay $0x1  }
0x31: {  	v2 =	vadd.s32 v1, v2;
	_ =	sdelay $0x4  }
0x32: {  	[tilespmem:s2], [sflag:$0x2] =	stream.indirect_vreg.gather [hbm4b:s8+s3], $0x80, v2, vm0, $0xb8;
	[tilespmem:$0x10080] =	vst v63  }
0x33: {  	s10 =	simm.s32 $0x4880  }
0x34: {  	[tilespmem:s10], [sflag:$0x2] =	stream.indirect_vreg.gather [hbm4b:s29+s3], $0x80, v2, vm0, $0xb8;
	[tilespmem:$0x10080] =	vst v63  }
0x35: {  	s11 =	sadd.s32 $0x200, s8;
	s16 =	simm.s32 $0x5080  }
0x36: {  	[tilespmem:s16], [sflag:$0x2] =	stream.indirect_vreg.gather [hbm4b:s11+s3], $0x80, v2, vm0, $0xb8;
	[tilespmem:$0x10080] =	vst v63  }
0x37: {  	s6 =	sadd.s32 $0x300, s8;
	s7 =	simm.s32 $0x5880  }
0x38: {  	[tilespmem:s7], [sflag:$0x2] =	stream.indirect_vreg.gather [hbm4b:s6+s3], $0x80, v2, vm0, $0xb8;
	[tilespmem:$0x10080] =	vst v63  }
0x39: {  	s9 =	sadd.s32 $0x400, s8;
	s10 =	simm.s32 $0x6080  }
0x3a: {  	[tilespmem:s10], [sflag:$0x2] =	stream.indirect_vreg.gather [hbm4b:s9+s3], $0x80, v2, vm0, $0xb8;
	[tilespmem:$0x10080] =	vst v63  }
0x3b: {  	[dreg:$0x7] =	wrdreg s11;
	s11 =	sadd.s32 $0x500, s8;
	s16 =	simm.s32 $0x6880  }
0x3c: {  	[tilespmem:s16], [sflag:$0x2] =	stream.indirect_vreg.gather [hbm4b:s11+s3], $0x80, v2, vm0, $0xb8;
	[tilespmem:$0x10080] =	vst v63  }
0x3d: {  	[dreg:$0x8] =	wrdreg s6;
	s6 =	sadd.s32 $0x600, s8;
	s7 =	simm.s32 $0x7080  }
0x3e: {  	[tilespmem:s7], [sflag:$0x2] =	stream.indirect_vreg.gather [hbm4b:s6+s3], $0x80, v2, vm0, $0xb8;
	[tilespmem:$0x10080] =	vst v63  }
0x3f: {  	[dreg:$0x9] =	wrdreg s9;
	s9 =	sadd.s32 $0x700, s8;
	s10 =	simm.s32 $0x7880  }
0x40: {  	[tilespmem:s10], [sflag:$0x2] =	stream.indirect_vreg.gather [hbm4b:s9+s3], $0x80, v2, vm0, $0xb8;
	[tilespmem:$0x10080] =	vst v63  }
0x41: {  	v2 =	vld.msk [tilespmem:$0x0], $0xff;
	_ =	sdelay $0x4  }
0x42: {  	v3 =	vshll.u32 v2, $0x6  }
0x43: {  	v2 =	vand.u32 $0x7, v2;
	v3 =	vand.u32 $0xFFFFFE00, v3  }
0x44: {  	v2 =	vor.u32 v2, v3  }
0x45: {  	v2 =	vperm.xlane v2, v0;
	_ =	sdelay $0x1  }
0x46: {  	v2 =	vadd.s32 v1, v2;
	_ =	sdelay $0x4  }
0x47: {  	[tilespmem:s4], [sflag:$0x3] =	stream.indirect_vreg.gather [hbm4b:s18+s3], $0x80, v2, vm0, $0xb8;
	[tilespmem:$0x10080] =	vst v63  }
0x48: {  	[dreg:$0xa] =	wrdreg s11;
	s11 =	sadd.s32 $0x100, s18;
	s16 =	simm.s32 $0x8880  }
0x49: {  	[tilespmem:s16], [sflag:$0x3] =	stream.indirect_vreg.gather [hbm4b:s11+s3], $0x80, v2, vm0, $0xb8;
	[tilespmem:$0x10080] =	vst v63  }
0x4a: {  	s0 =	sadd.s32 $0x200, s18;
	s4 =	simm.s32 $0x9080  }
0x4b: {  	[tilespmem:s4], [sflag:$0x3] =	stream.indirect_vreg.gather [hbm4b:s0+s3], $0x80, v2, vm0, $0xb8;
	[tilespmem:$0x10080] =	vst v63  }
0x4c: {  	[dreg:$0xb] =	wrdreg s6;
	s6 =	sadd.s32 $0x300, s18;
	s7 =	simm.s32 $0x9880  }
0x4d: {  	[tilespmem:s7], [sflag:$0x3] =	stream.indirect_vreg.gather [hbm4b:s6+s3], $0x80, v2, vm0, $0xb8;
	[tilespmem:$0x10080] =	vst v63  }
0x4e: {  	[dreg:$0xc] =	wrdreg s9;
	s9 =	sadd.s32 $0x400, s18;
	s10 =	simm.s32 $0xA080  }
0x4f: {  	[tilespmem:s10], [sflag:$0x3] =	stream.indirect_vreg.gather [hbm4b:s9+s3], $0x80, v2, vm0, $0xb8;
	[tilespmem:$0x10080] =	vst v63  }
0x50: {  	[dreg:$0xd] =	wrdreg s11;
	s11 =	sadd.s32 $0x500, s18;
	s16 =	simm.s32 $0xA880  }
0x51: {  	[tilespmem:s16], [sflag:$0x3] =	stream.indirect_vreg.gather [hbm4b:s11+s3], $0x80, v2, vm0, $0xb8;
	[tilespmem:$0x10080] =	vst v63  }
0x52: {  	[dreg:$0xf] =	wrdreg s6;
	s4 =	sadd.s32 $0x600, s18;
	s6 =	simm.s32 $0xB080  }
0x53: {  	[tilespmem:s6], [sflag:$0x3] =	stream.indirect_vreg.gather [hbm4b:s4+s3], $0x80, v2, vm0, $0xb8;
	[tilespmem:$0x10080] =	vst v63  }
0x54: {  	[dreg:$0x10] =	wrdreg s9;
	s7 =	sadd.s32 $0x700, s18;
	s9 =	simm.s32 $0xB880  }
0x55: {  	[tilespmem:s9], [sflag:$0x3] =	stream.indirect_vreg.gather [hbm4b:s7+s3], $0x80, v2, vm0, $0xb8;
	[tilespmem:$0x10080] =	vst v63  }
0x56: {  	v2 =	vld.msk [tilespmem:$0x0], $0xff;
	_ =	sdelay $0x4  }
0x57: {  	v3 =	vshll.u32 v2, $0x6  }
0x58: {  	v2 =	vand.u32 $0x7, v2;
	v3 =	vand.u32 $0xFFFFFE00, v3  }
0x59: {  	v2 =	vor.u32 v2, v3  }
0x5a: {  	v2 =	vperm.xlane v2, v0;
	_ =	sdelay $0x1  }
0x5b: {  	v2 =	vadd.s32 v1, v2;
	_ =	sdelay $0x3  }
0x5c: {  	[dreg:$0x12] =	wrdreg s4  }
0x5d: {  	[tilespmem:s26], [sflag:$0x4] =	stream.indirect_vreg.gather [hbm4b:s14+s3], $0x80, v2, vm0, $0xb8;
	[tilespmem:$0x10080] =	vst v63  }
0x5e: {  	s10 =	simm.s32 $0xC880;
	s4 =	smov.u32 s5;
	s5 =	sadd.s32 $0x100, s14  }
0x5f: {  	[tilespmem:s10], [sflag:$0x4] =	stream.indirect_vreg.gather [hbm4b:s5+s3], $0x80, v2, vm0, $0xb8;
	[tilespmem:$0x10080] =	vst v63  }
0x60: {  	[dreg:$0x11] =	wrdreg s11;
	s11 =	simm.s32 $0xD080;
	s6 =	sadd.s32 $0x200, s14  }
0x61: {  	[tilespmem:s11], [sflag:$0x4] =	stream.indirect_vreg.gather [hbm4b:s6+s3], $0x80, v2, vm0, $0xb8;
	[tilespmem:$0x10080] =	vst v63  }
0x62: {  	[dreg:$0x13] =	wrdreg s7;
	s16 =	simm.s32 $0xD880;
	s7 =	sadd.s32 $0x300, s14  }
0x63: {  	[tilespmem:s16], [sflag:$0x4] =	stream.indirect_vreg.gather [hbm4b:s7+s3], $0x80, v2, vm0, $0xb8;
	[tilespmem:$0x10080] =	vst v63  }
0x64: {  	s2 =	smov.u32 s8;
	s8 =	sadd.s32 $0x400, s14;
	s9 =	simm.s32 $0xE080  }
0x65: {  	[tilespmem:s9], [sflag:$0x4] =	stream.indirect_vreg.gather [hbm4b:s8+s3], $0x80, v2, vm0, $0xb8;
	[tilespmem:$0x10080] =	vst v63  }
0x66: {  	s10 =	simm.s32 $0xE880;
	s9 =	sadd.s32 $0x500, s14  }
0x67: {  	[tilespmem:s10], [sflag:$0x4] =	stream.indirect_vreg.gather [hbm4b:s9+s3], $0x80, v2, vm0, $0xb8;
	[tilespmem:$0x10080] =	vst v63  }
0x68: {  	s26 =	simm.s32 $0xF080;
	s16 =	sadd.s32 $0x600, s14  }
0x69: {  	[tilespmem:s26], [sflag:$0x4] =	stream.indirect_vreg.gather [hbm4b:s16+s3], $0x80, v2, vm0, $0xb8;
	[tilespmem:$0x10080] =	vst v63  }
0x6a: {  	s11 =	simm.s32 $0xF880;
	s10 =	sadd.s32 $0x700, s14  }
0x6b: {  	[tilespmem:s11], [sflag:$0x4] =	stream.indirect_vreg.gather [hbm4b:s10+s3], $0x80, v2, vm0, $0xb8;
	[tilespmem:$0x10080] =	vst v63  }
0x6c: {  	s28 =	simm.s32 $0x0;
	[dreg:$0xe] =	wrdreg s0;
	s11 =	simm.s32 $0x8  }
.LBB2_2:
0x6d: {  	_ =	swait.ge [sflag:s13], $0x4000  }
0x6e: {  	[sflag:s13] =	ssyncset.done $0x0  }
0x6f: {  	[sflag:s13] =	ssyncadd.s32 $0xFFFFC000;
	s13 =	sadd.s32 s28, s12  }
0x70: {  	[hbm4b:s13+s3] =	stream.linear.scatter [tilespmem:s21], [sflag:$0x5], $0x4000, $0x38;
	[tilespmem:$0x10080] =	vst v63  }
0x71: {  	_ =	swait.ge [sflag:s17], $0x4000  }
0x72: {  	[sflag:s17] =	ssyncset.done $0x0  }
0x73: {  	p0 =	seq.s32 s28, $0x1E000;
	[sflag:s17] =	ssyncadd.s32 $0xFFFFC000  }
0x74: {  	v2 =	vld.msk @!p0 [tilespmem:s11+$0x0], $0xff;
	_ =	sdelay $0x4  }
0x75: {  	v3 =	vshll.u32 @!p0 v2, $0x6  }
0x76: {  	v4 =	vlaneseq.u32 @!p0;
	v2 =	vand.u32 @!p0 $0x7, v2;
	v3 =	vand.u32 @!p0 $0xFFFFFE00, v3  }
0x77: {  	v2 =	vor.u32 @!p0 v2, v3;
	v3 =	vand.u32 @!p0 $0x7, v4;
	v4 =	vshrl.u32 @!p0 v4, $0x3  }
0x78: {  	v2 =	vperm.xlane @!p0 v2, v3;
	v4 =	vmul.u32 @!p0 $0x8, v4;
	_ =	sdelay $0x1  }
0x79: {  	v2 =	vadd.s32 @!p0 v4, v2;
	_ =	sdelay $0x2  }
0x7a: {  	s26 =	smov.u32 s14  }
0x7b: {  	vm1 =	vmmov @!p0 $0xffff;
	s14 =	simm.s32 @!p0 $0x80;
	s21 =	smov.u32 s12;
	s12 =	simm.s32 @!p0 $0x0  }
0x7c: {  	[tilespmem:s14], [sflag:$0x1] =	stream.indirect_vreg.gather @!p0 [hbm4b:s20+s12], $0x80, v2, vm1, $0xb8;
	[tilespmem:$0x10080] =	vst v63  }
0x7d: {  	s14 =	simm.s32 @!p0 $0x880  }
0x7e: {  	[tilespmem:s14], [sflag:$0x1] =	stream.indirect_vreg.gather @!p0 [hbm4b:s22+s12], $0x80, v2, vm1, $0xb8;
	[tilespmem:$0x10080] =	vst v63  }
0x7f: {  	s14 =	simm.s32 @!p0 $0x1080  }
0x80: {  	[tilespmem:s14], [sflag:$0x1] =	stream.indirect_vreg.gather @!p0 [hbm4b:s23+s12], $0x80, v2, vm1, $0xb8;
	[tilespmem:$0x10080] =	vst v63  }
0x81: {  	s14 =	simm.s32 @!p0 $0x1880  }
0x82: {  	[tilespmem:s14], [sflag:$0x1] =	stream.indirect_vreg.gather @!p0 [hbm4b:s24+s12], $0x80, v2, vm1, $0xb8;
	[tilespmem:$0x10080] =	vst v63  }
0x83: {  	s14 =	simm.s32 @!p0 $0x2080  }
0x84: {  	[tilespmem:s14], [sflag:$0x1] =	stream.indirect_vreg.gather @!p0 [hbm4b:s25+s12], $0x80, v2, vm1, $0xb8;
	[tilespmem:$0x10080] =	vst v63  }
0x85: {  	s14 =	simm.s32 @!p0 $0x2880  }
0x86: {  	[tilespmem:s14], [sflag:$0x1] =	stream.indirect_vreg.gather @!p0 [hbm4b:s4+s12], $0x80, v2, vm1, $0xb8;
	[tilespmem:$0x10080] =	vst v63  }
0x87: {  	s14 =	simm.s32 @!p0 $0x3080  }
0x88: {  	[tilespmem:s14], [sflag:$0x1] =	stream.indirect_vreg.gather @!p0 [hbm4b:s15+s12], $0x80, v2, vm1, $0xb8;
	[tilespmem:$0x10080] =	vst v63  }
0x89: {  	s14 =	simm.s32 @!p0 $0x3880  }
0x8a: {  	[tilespmem:s14], [sflag:$0x1] =	stream.indirect_vreg.gather @!p0 [hbm4b:s19+s12], $0x80, v2, vm1, $0xb8;
	[tilespmem:$0x10080] =	vst v63  }
0x8b: {  	_ =	swait.ge [sflag:s30], $0x4000  }
0x8c: {  	[sflag:s30] =	ssyncset.done $0x0  }
0x8d: {  	s0 =	simm.s32 $0x4080;
	s14 =	sadd.s32 $0x800, s13;
	[sflag:s30] =	ssyncadd.s32 $0xFFFFC000  }
0x8e: {  	[hbm4b:s14+s3] =	stream.linear.scatter [tilespmem:s0], [sflag:$0x5], $0x4000, $0x38;
	[tilespmem:$0x10080] =	vst v63  }
0x8f: {  	_ =	swait.ge [sflag:s17], $0x4000  }
0x90: {  	[sflag:s17] =	ssyncset.done $0x0  }
0x91: {  	[sflag:s17] =	ssyncadd.s32 $0xFFFFC000  }
0x92: {  	v2 =	vld.msk @!p0 [tilespmem:s11+$0x0], $0xff;
	_ =	sdelay $0x4  }
0x93: {  	v5 =	vshll.u32 @!p0 v2, $0x6  }
0x94: {  	v2 =	vand.u32 @!p0 $0x7, v2;
	v5 =	vand.u32 @!p0 $0xFFFFFE00, v5  }
0x95: {  	v2 =	vor.u32 @!p0 v2, v5  }
0x96: {  	v2 =	vperm.xlane @!p0 v2, v3;
	_ =	sdelay $0x1  }
0x97: {  	v2 =	vadd.s32 @!p0 v4, v2;
	_ =	sdelay $0x3  }
0x98: {  	s14 =	simm.s32 @!p0 $0x4080  }
0x99: {  	[tilespmem:s14], [sflag:$0x2] =	stream.indirect_vreg.gather @!p0 [hbm4b:s2+s12], $0x80, v2, vm1, $0xb8;
	[tilespmem:$0x10080] =	vst v63  }
0x9a: {  	s14 =	simm.s32 @!p0 $0x4880  }
0x9b: {  	[tilespmem:s14], [sflag:$0x2] =	stream.indirect_vreg.gather @!p0 [hbm4b:s29+s12], $0x80, v2, vm1, $0xb8;
	[tilespmem:$0x10080] =	vst v63  }
0x9c: {  	s0 =	rddreg [dreg:$0x7];
	s14 =	simm.s32 @!p0 $0x5080  }
0x9d: {  	[tilespmem:s14], [sflag:$0x2] =	stream.indirect_vreg.gather @!p0 [hbm4b:s0+s12], $0x80, v2, vm1, $0xb8;
	[tilespmem:$0x10080] =	vst v63  }
0x9e: {  	s14 =	simm.s32 @!p0 $0x5880;
	s0 =	rddreg [dreg:$0x8]  }
0x9f: {  	[tilespmem:s14], [sflag:$0x2] =	stream.indirect_vreg.gather @!p0 [hbm4b:s0+s12], $0x80, v2, vm1, $0xb8;
	[tilespmem:$0x10080] =	vst v63  }
0xa0: {  	s14 =	simm.s32 @!p0 $0x6080;
	s0 =	rddreg [dreg:$0x9]  }
0xa1: {  	[tilespmem:s14], [sflag:$0x2] =	stream.indirect_vreg.gather @!p0 [hbm4b:s0+s12], $0x80, v2, vm1, $0xb8;
	[tilespmem:$0x10080] =	vst v63  }
0xa2: {  	s14 =	simm.s32 @!p0 $0x6880;
	s0 =	rddreg [dreg:$0xa]  }
0xa3: {  	[tilespmem:s14], [sflag:$0x2] =	stream.indirect_vreg.gather @!p0 [hbm4b:s0+s12], $0x80, v2, vm1, $0xb8;
	[tilespmem:$0x10080] =	vst v63  }
0xa4: {  	s14 =	simm.s32 @!p0 $0x7080;
	s0 =	rddreg [dreg:$0xb]  }
0xa5: {  	[tilespmem:s14], [sflag:$0x2] =	stream.indirect_vreg.gather @!p0 [hbm4b:s0+s12], $0x80, v2, vm1, $0xb8;
	[tilespmem:$0x10080] =	vst v63  }
0xa6: {  	s14 =	simm.s32 @!p0 $0x7880;
	s0 =	rddreg [dreg:$0xc]  }
0xa7: {  	[tilespmem:s14], [sflag:$0x2] =	stream.indirect_vreg.gather @!p0 [hbm4b:s0+s12], $0x80, v2, vm1, $0xb8;
	[tilespmem:$0x10080] =	vst v63  }
0xa8: {  	_ =	swait.ge [sflag:s31], $0x4000  }
0xa9: {  	[sflag:s31] =	ssyncset.done $0x0  }
0xaa: {  	s14 =	sadd.s32 $0x1000, s13;
	s0 =	simm.s32 $0x8080;
	[sflag:s31] =	ssyncadd.s32 $0xFFFFC000  }
0xab: {  	[hbm4b:s14+s3] =	stream.linear.scatter [tilespmem:s0], [sflag:$0x5], $0x4000, $0x38;
	[tilespmem:$0x10080] =	vst v63  }
0xac: {  	_ =	swait.ge [sflag:s17], $0x4000  }
0xad: {  	[sflag:s17] =	ssyncset.done $0x0  }
0xae: {  	[sflag:s17] =	ssyncadd.s32 $0xFFFFC000  }
0xaf: {  	v2 =	vld.msk @!p0 [tilespmem:s11+$0x0], $0xff;
	_ =	sdelay $0x4  }
0xb0: {  	v5 =	vshll.u32 @!p0 v2, $0x6  }
0xb1: {  	v2 =	vand.u32 @!p0 $0x7, v2;
	v5 =	vand.u32 @!p0 $0xFFFFFE00, v5  }
0xb2: {  	v2 =	vor.u32 @!p0 v2, v5  }
0xb3: {  	v2 =	vperm.xlane @!p0 v2, v3;
	_ =	sdelay $0x1  }
0xb4: {  	v2 =	vadd.s32 @!p0 v4, v2;
	_ =	sdelay $0x3  }
0xb5: {  	s14 =	simm.s32 @!p0 $0x8080  }
0xb6: {  	[tilespmem:s14], [sflag:$0x3] =	stream.indirect_vreg.gather @!p0 [hbm4b:s18+s12], $0x80, v2, vm1, $0xb8;
	[tilespmem:$0x10080] =	vst v63  }
0xb7: {  	s0 =	rddreg [dreg:$0xd];
	s14 =	simm.s32 @!p0 $0x8880  }
0xb8: {  	[tilespmem:s14], [sflag:$0x3] =	stream.indirect_vreg.gather @!p0 [hbm4b:s0+s12], $0x80, v2, vm1, $0xb8;
	[tilespmem:$0x10080] =	vst v63  }
0xb9: {  	s14 =	simm.s32 @!p0 $0x9080;
	s0 =	rddreg [dreg:$0xe]  }
0xba: {  	[tilespmem:s14], [sflag:$0x3] =	stream.indirect_vreg.gather @!p0 [hbm4b:s0+s12], $0x80, v2, vm1, $0xb8;
	[tilespmem:$0x10080] =	vst v63  }
0xbb: {  	s14 =	simm.s32 @!p0 $0x9880;
	s0 =	rddreg [dreg:$0xf]  }
0xbc: {  	[tilespmem:s14], [sflag:$0x3] =	stream.indirect_vreg.gather @!p0 [hbm4b:s0+s12], $0x80, v2, vm1, $0xb8;
	[tilespmem:$0x10080] =	vst v63  }
0xbd: {  	s14 =	simm.s32 @!p0 $0xA080;
	s0 =	rddreg [dreg:$0x10]  }
0xbe: {  	[tilespmem:s14], [sflag:$0x3] =	stream.indirect_vreg.gather @!p0 [hbm4b:s0+s12], $0x80, v2, vm1, $0xb8;
	[tilespmem:$0x10080] =	vst v63  }
0xbf: {  	s14 =	simm.s32 @!p0 $0xA880;
	s0 =	rddreg [dreg:$0x11]  }
0xc0: {  	[tilespmem:s14], [sflag:$0x3] =	stream.indirect_vreg.gather @!p0 [hbm4b:s0+s12], $0x80, v2, vm1, $0xb8;
	[tilespmem:$0x10080] =	vst v63  }
0xc1: {  	s14 =	simm.s32 @!p0 $0xB080;
	s0 =	rddreg [dreg:$0x12]  }
0xc2: {  	[tilespmem:s14], [sflag:$0x3] =	stream.indirect_vreg.gather @!p0 [hbm4b:s0+s12], $0x80, v2, vm1, $0xb8;
	[tilespmem:$0x10080] =	vst v63  }
0xc3: {  	s14 =	simm.s32 @!p0 $0xB880;
	s0 =	rddreg [dreg:$0x13]  }
0xc4: {  	[tilespmem:s14], [sflag:$0x3] =	stream.indirect_vreg.gather @!p0 [hbm4b:s0+s12], $0x80, v2, vm1, $0xb8;
	[tilespmem:$0x10080] =	vst v63  }
0xc5: {  	_ =	swait.ge [sflag:s1], $0x4000  }
0xc6: {  	s13 =	sadd.s32 $0x1800, s13;
	[sflag:s1] =	ssyncset.done $0x0  }
0xc7: {  	s14 =	smov.u32 s26;
	s26 =	simm.s32 $0xC080;
	[sflag:s1] =	ssyncadd.s32 $0xFFFFC000  }
0xc8: {  	[hbm4b:s13+s3] =	stream.linear.scatter [tilespmem:s26], [sflag:$0x5], $0x4000, $0x38;
	[tilespmem:$0x10080] =	vst v63  }
0xc9: {  	_ =	swait.ge [sflag:s17], $0x4000  }
0xca: {  	[sflag:s17] =	ssyncset.done $0x0  }
0xcb: {  	[sflag:s17] =	ssyncadd.s32 $0xFFFFC000  }
0xcc: {  	v2 =	vld.msk @!p0 [tilespmem:s11+$0x0], $0xff;
	_ =	sdelay $0x4  }
0xcd: {  	v5 =	vshll.u32 @!p0 v2, $0x6  }
0xce: {  	v2 =	vand.u32 @!p0 $0x7, v2;
	v5 =	vand.u32 @!p0 $0xFFFFFE00, v5  }
0xcf: {  	v2 =	vor.u32 @!p0 v2, v5  }
0xd0: {  	v2 =	vperm.xlane @!p0 v2, v3;
	_ =	sdelay $0x1  }
0xd1: {  	v2 =	vadd.s32 @!p0 v4, v2;
	_ =	sdelay $0x3  }
0xd2: {  	s13 =	simm.s32 @!p0 $0xC080  }
0xd3: {  	[tilespmem:s13], [sflag:$0x4] =	stream.indirect_vreg.gather @!p0 [hbm4b:s14+s12], $0x80, v2, vm1, $0xb8;
	[tilespmem:$0x10080] =	vst v63  }
0xd4: {  	s13 =	simm.s32 @!p0 $0xC880  }
0xd5: {  	[tilespmem:s13], [sflag:$0x4] =	stream.indirect_vreg.gather @!p0 [hbm4b:s5+s12], $0x80, v2, vm1, $0xb8;
	[tilespmem:$0x10080] =	vst v63  }
0xd6: {  	s13 =	simm.s32 @!p0 $0xD080  }
0xd7: {  	[tilespmem:s13], [sflag:$0x4] =	stream.indirect_vreg.gather @!p0 [hbm4b:s6+s12], $0x80, v2, vm1, $0xb8;
	[tilespmem:$0x10080] =	vst v63  }
0xd8: {  	s28 =	sadd.s32 @!p0 $0x2000, s28;
	s13 =	simm.s32 @!p0 $0xD880  }
0xd9: {  	[tilespmem:s13], [sflag:$0x4] =	stream.indirect_vreg.gather @!p0 [hbm4b:s7+s12], $0x80, v2, vm1, $0xb8;
	[tilespmem:$0x10080] =	vst v63  }
0xda: {  	p1 =	sne.s32 @!p0 s28, $0x20000;
	s13 =	simm.s32 @!p0 $0xE080  }
0xdb: {  	[tilespmem:s13], [sflag:$0x4] =	stream.indirect_vreg.gather @!p0 [hbm4b:s8+s12], $0x80, v2, vm1, $0xb8;
	[tilespmem:$0x10080] =	vst v63  }
0xdc: {  	p1 =	por p0, !p1;
	s13 =	simm.s32 @!p0 $0xE880  }
0xdd: {  	[tilespmem:s13], [sflag:$0x4] =	stream.indirect_vreg.gather @!p0 [hbm4b:s9+s12], $0x80, v2, vm1, $0xb8;
	[tilespmem:$0x10080] =	vst v63  }
.Ltmp0:
0xde: {  	s13 =	simm.s32 @!p0 $0xF080;
	(pc) =	sbr.rel @!p1 .LBB2_2-.Ltmp0, $4  }
0xdf: {  	[tilespmem:s13], [sflag:$0x4] =	stream.indirect_vreg.gather @!p0 [hbm4b:s16+s12], $0x80, v2, vm1, $0xb8;
	[tilespmem:$0x10080] =	vst v63  }
0xe0: {  	s11 =	sadd.s32 @!p0 $0x8, s11;
	s13 =	simm.s32 @!p0 $0xF880  }
0xe1: {  	[tilespmem:s13], [sflag:$0x4] =	stream.indirect_vreg.gather @!p0 [hbm4b:s10+s12], $0x80, v2, vm1, $0xb8;
	[tilespmem:$0x10080] =	vst v63  }
0xe2: {  	s13 =	simm.s32 $0x1;
	s12 =	smov.u32 s21;
	s21 =	simm.s32 $0x80  }
0xe3: {  	s6 =	rddreg [dreg:$0x6]  }
0xe4: {  	s0 =	rddreg [dreg:$0x5];
	s6 =	sadd.s32 $0x1, s6  }
0xe5: {  	p0 =	sne.s32 s6, s0  }
.Ltmp1:
0xe6: {  	_ = 	snop;
	(pc) =	sbr.rel @p0 .LBB2_1-.Ltmp1, $3  }
0xe7: {  	_ =	sdelay $0x1  }
0xe8: {  	s5 =	smov.u32 s4  }
0xe9: {  	s8 =	smov.u32 s2;
	s2 =	simm.s32 $0x4080;
	s4 =	simm.s32 $0x8080  }
0xea: {  	_ =	sfence.sel $0x180000  }
0xeb: {  	[bflag:$0x0] =	sbarrier.arrive $0xFFFF  }
0xec: {  	_ =	strace $0x90000047  }
0xed: {  	s0 =	stileid.u32;
	[bflag:$0x2] =	sbarrier.arrive $0xFFFF  }
0xee: {  	p0 =	sne.s32 s0, $0x0;
	s0 =	rddreg [dreg:$0x3]  }
0xef: {  	s0 =	sadd.s32 @!p0 $0x100000, s0  }
0xf0: {  	[sflag:s0] =	ssyncadd.tile.s32 @!p0 $0x1;
	_ =	shalt  }
.Lfunc_end2:
_tile_overlayer_lowered:
.L_overlay_start_2:
0xf1: {  	(tag) =	ssettag $0x2  }
0xf2: {  	s0 =	rddreg [dreg:$0x0];
	s2 =	stileid.u32  }
0xf3: {  	s1 =	rddreg [dreg:$0x1];
	p0 =	sne.s32 s2, $0x0  }
0xf4: {  	s3 =	rddreg [dreg:$0x2];
	[bflag:$0x3] =	sbarrier.arrive $0xFFFF;
	s2 =	simm.s32 @!p0 $0x1C05  }
0xf5: {  	[timem:s3], [sflag:s2] =	dma.local @!p0 [hbm:s0], s1  }
0xf6: {  	s0 =	simm.s32 @!p0 $0x5  }
0xf7: {  	_ =	swait.ge @!p0 [sflag:s0], s1  }
0xf8: {  	s1 =	ssub.s32 @!p0 $0x0, s1;
	[sflag:s0] =	ssyncset.done @!p0 $0x0  }
0xf9: {  	[sflag:s0] =	ssyncadd.s32 @!p0 s1  }
0xfa: {  	[bflag:$0x3] =	sbarrier.arrive $0xFFFF  }
0xfb: {  	_ =	shalt  }

</sc_bundles>
